<compile_context>
chip_gen: v7x
topology: tpu7x:2x2x1
jax: 0.10.2.dev20260603
libtpu: 0.0.44.dev20260713+nightly
codegen_flags: <defaults>
</compile_context>

<pallas_src>
import jax
import jax.numpy as jnp
import numpy as np
from jax import lax
from jax.experimental import pallas as pl
from jax.experimental.pallas import tpu as pltpu
from jax.experimental.pallas import tpu_sc as plsc

BATCH = 16384
NUM_FINE = 100
GROUP = 5

NC = 2
NS = 16
L = 16
NW = NC * NS
ROWS_PER_W = BATCH // NW
CHUNKS = ROWS_PER_W // L

LN2 = np.float32(0.6931471805599453)
SQRT2 = np.float32(1.4142135623730951)


def _vlog(d):
    bits = plsc.bitcast(d, jnp.int32)
    ex = (bits >> 23) - 127
    mant = plsc.bitcast((bits & 0x007FFFFF) | 0x3F800000, jnp.float32)
    adj = mant > SQRT2
    mant = jnp.where(adj, mant * np.float32(0.5), mant)
    ex = jnp.where(adj, ex + 1, ex)
    z = (mant - np.float32(1.0)) / (mant + np.float32(1.0))
    z2 = z * z
    logm = np.float32(2.0) * z * (
        np.float32(1.0)
        + z2 * (np.float32(1.0 / 3.0)
                + z2 * (np.float32(1.0 / 5.0) + z2 * np.float32(1.0 / 7.0))))
    return logm + ex.astype(jnp.float32) * LN2


def _body(yhatT_hbm, yfine_hbm, out_hbm, yhat_v, yfine_v, acc_v):
    wid = lax.axis_index("s") * NC + lax.axis_index("c")
    base = wid * ROWS_PER_W
    pltpu.sync_copy(yhatT_hbm.at[:, pl.ds(base, ROWS_PER_W)], yhat_v)
    pltpu.sync_copy(yfine_hbm.at[pl.ds(base, ROWS_PER_W)], yfine_v)

    lane = lax.iota(jnp.int32, L)

    def chunk(c, acc):
        yf = yfine_v[pl.ds(c * L, L)]
        g = (yf.astype(jnp.float32) * np.float32(0.2)).astype(jnp.int32)
        col0 = (g << 2) + g
        r = yf - col0
        rows = c * L + lane
        xs = [plsc.load_gather(yhat_v, [col0 + j, rows]) for j in range(GROUP)]
        m = xs[0]
        for j in range(1, GROUP):
            m = jnp.maximum(m, xs[j])
        es = [jnp.exp(x - m) for x in xs]
        s = es[0]
        for j in range(1, GROUP):
            s = s + es[j]
        zero = jnp.zeros((L,), jnp.float32)
        er = zero
        t = zero
        for j in range(GROUP):
            is_r = r == j
            er = jnp.where(is_r, es[j], er)
            t = t + jnp.where(is_r, zero, es[j] * (xs[j] - m))
        u = s - er
        d = u + np.float32(1e-7) * s
        return acc + (t - _vlog(d) * u) / d

    acc = lax.fori_loop(0, CHUNKS, chunk, jnp.zeros((L,), jnp.float32))
    acc_v[...] = acc
    pltpu.sync_copy(acc_v, out_hbm.at[wid])


@jax.jit
def kernel(yHat, y_fine):
    mesh = plsc.VectorSubcoreMesh(core_axis_name="c", subcore_axis_name="s")
    partials = pl.kernel(
        _body,
        mesh=mesh,
        compiler_params=pltpu.CompilerParams(needs_layout_passes=False),
        out_type=jax.ShapeDtypeStruct((NW, L), jnp.float32),
        scratch_types=[
            pltpu.VMEM((NUM_FINE, ROWS_PER_W), jnp.float32),
            pltpu.VMEM((ROWS_PER_W,), jnp.int32),
            pltpu.VMEM((L,), jnp.float32),
        ],
    )(yHat.T, y_fine.astype(jnp.int32))
    return jnp.sum(partials) * np.float32(1.0 / (BATCH * GROUP))

# --- scband reference (transcript-rebuilt; emitter-appended) ---
"""Pipeline reference for scband-inner-complement-entropy-51573967290475 (READ-ONLY COPY).

The authoritative reference and input builder live on the scoring server;
editing this copy changes nothing except your own understanding.
"""

import jax, jax.numpy as jnp
import numpy as np

BATCH = 16384
NUM_FINE = 100
NUM_COARSE_GROUPS = 20
COARSE_CLASSES = 5  # group size, matches module's hardcoded coarse_classes


def setup_inputs(seed: int = 0) -> dict:
    key = jax.random.key(seed)
    k1, k2 = jax.random.split(key)
    yHat = jax.random.normal(k1, (BATCH, NUM_FINE), dtype=jnp.float32)
    y_fine = jax.random.randint(k2, (BATCH,), 0, NUM_FINE)
    return {"yHat": yHat, "y_fine": y_fine}


def reference(yHat, y_fine):
    # fine2coarse: 20 coarse groups of 5 contiguous fine classes (the init arg)
    fine2coarse = jnp.repeat(jnp.arange(NUM_COARSE_GROUPS, dtype=jnp.int32), COARSE_CLASSES)  # [100]
    batch_size = yHat.shape[0]
    # y_coarse = fine2coarse[y_fine], unsqueezed
    y_coarse = fine2coarse[y_fine][:, None]  # [B, 1]
    # mask of fine classes belonging to the same coarse group
    mask = (fine2coarse[None, :] == y_coarse).astype(jnp.int32)  # [B, 100]
    # topk picks the 5 in-group fine indices (ties -> lowest index first, like torch CPU)
    _, y_G = jax.lax.top_k(mask, COARSE_CLASSES)  # [B, 5]
    # gather in-group logits and softmax within group
    yHat_G = jax.nn.softmax(jnp.take_along_axis(yHat, y_G, axis=1).astype(jnp.float32), axis=1)  # [B, 5]
    # position of the true fine label within the group
    inner = (y_G == y_fine[:, None]).astype(jnp.int32)
    _, new_Yg_index = jax.lax.top_k(inner, 1)  # [B, 1]
    Yg = jnp.take_along_axis(yHat_G, new_Yg_index, axis=1)  # [B, 1]
    Yg_ = 1.0 - Yg + 1e-07
    Px = yHat_G / Yg_.reshape(yHat_G.shape[0], 1)
    Px_log = jnp.log(jnp.clip(Px, 1e-10))
    # scatter-overwrite zeros at the true-class position
    y_zerohot = jnp.ones((batch_size, COARSE_CLASSES), dtype=yHat_G.dtype).at[
        jnp.arange(batch_size), new_Yg_index[:, 0]
    ].set(0.0)
    output = Px * Px_log * y_zerohot
    loss = jnp.sum(output)
    loss = loss / float(batch_size)
    loss = loss / float(COARSE_CLASSES)
    return loss

if __name__ == "__main__":
    import jax
    _d = setup_inputs()
    print(jax.jit(kernel)(*tuple(_d.values())))

</pallas_src>

<mosaic_0001>
#map = affine_map<(d0, d1) -> (0, 0)>
#map1 = affine_map<(d0, d1) -> (0)>
module attributes {stable_mosaic.version = 14 : i64} {
  func.func @_body(%arg0: i32, %arg1: i32, %arg2: memref<100x16384xf32, #tpu.memory_space<hbm>>, %arg3: memref<16384xi32, #tpu.memory_space<hbm>>, %arg4: memref<32x16xf32, #tpu.memory_space<hbm>>, %arg5: memref<100x512xf32, #tpu.memory_space<vmem>>, %arg6: memref<512xi32, #tpu.memory_space<vmem>>, %arg7: memref<16xf32, #tpu.memory_space<vmem>>) attributes {dimension_semantics = [#tpu.dimension_semantics<core_parallel>, #tpu.dimension_semantics<subcore_parallel>], iteration_bounds = array<i64: 2, 16>, scalar_prefetch = 0 : i64, scratch_operands = 3 : i64, tpu.core_type = #tpu.core_type<sc_vector_subcore>, window_params = [{transform_indices = #map}, {transform_indices = #map1}, {transform_indices = #map}]} {
    %mul3A = arith.constant 2 : i32
    %mul3A_0 = arith.muli %arg1, %mul3A : i32
    %add3A = arith.addi %mul3A_0, %arg0 : i32
    %mul3A_1 = arith.constant 512 : i32
    %mul3A_2 = arith.muli %add3A, %mul3A_1 : i32
    "tpu.region"() ({
      %run_scoped3A = tpu.sem_alloc : memref<!tpu.dma_semaphore, #tpu.memory_space<semaphore_mem>>
      %dma_start3A = arith.constant 0 : i32
      %dma_start3A_10 = tpu.memref_slice %arg2[%dma_start3A, %mul3A_2] : memref<100x16384xf32, #tpu.memory_space<hbm>> -> memref<100x512xf32, #tpu.memory_space<hbm>>
      %dma_start3A_11 = arith.constant 0 : i32
      %dma_start3A_12 = tpu.memref_slice %arg2[%dma_start3A_11, %mul3A_2] : memref<100x16384xf32, #tpu.memory_space<hbm>> -> memref<100x512xf32, #tpu.memory_space<hbm>>
      tpu.enqueue_dma source(%dma_start3A_12 : memref<100x512xf32, #tpu.memory_space<hbm>>) target(%arg5 : memref<100x512xf32, #tpu.memory_space<vmem>>) target_semaphore(%run_scoped3A : memref<!tpu.dma_semaphore, #tpu.memory_space<semaphore_mem>>)
      %dma_wait3A = arith.constant 0 : i32
      %dma_wait3A_13 = tpu.memref_slice %arg2[%dma_wait3A, %mul3A_2] : memref<100x16384xf32, #tpu.memory_space<hbm>> -> memref<100x512xf32, #tpu.memory_space<hbm>>
      %dma_wait3A_14 = arith.constant 0 : i32
      %dma_wait3A_15 = tpu.memref_slice %arg2[%dma_wait3A_14, %mul3A_2] : memref<100x16384xf32, #tpu.memory_space<hbm>> -> memref<100x512xf32, #tpu.memory_space<hbm>>
      tpu.wait_dma2 semaphore(%run_scoped3A : memref<!tpu.dma_semaphore, #tpu.memory_space<semaphore_mem>>) src(%dma_wait3A_15 : memref<100x512xf32, #tpu.memory_space<hbm>>) dst(%arg5 : memref<100x512xf32, #tpu.memory_space<vmem>>)
      tpu.yield
    }) : () -> ()
    "tpu.region"() ({
      %run_scoped3A = tpu.sem_alloc : memref<!tpu.dma_semaphore, #tpu.memory_space<semaphore_mem>>
      %dma_start3A = tpu.memref_slice %arg3[%mul3A_2] : memref<16384xi32, #tpu.memory_space<hbm>> -> memref<512xi32, #tpu.memory_space<hbm>>
      %dma_start3A_10 = tpu.memref_slice %arg3[%mul3A_2] : memref<16384xi32, #tpu.memory_space<hbm>> -> memref<512xi32, #tpu.memory_space<hbm>>
      tpu.enqueue_dma source(%dma_start3A_10 : memref<512xi32, #tpu.memory_space<hbm>>) target(%arg6 : memref<512xi32, #tpu.memory_space<vmem>>) target_semaphore(%run_scoped3A : memref<!tpu.dma_semaphore, #tpu.memory_space<semaphore_mem>>)
      %dma_wait3A = tpu.memref_slice %arg3[%mul3A_2] : memref<16384xi32, #tpu.memory_space<hbm>> -> memref<512xi32, #tpu.memory_space<hbm>>
      %dma_wait3A_11 = tpu.memref_slice %arg3[%mul3A_2] : memref<16384xi32, #tpu.memory_space<hbm>> -> memref<512xi32, #tpu.memory_space<hbm>>
      tpu.wait_dma2 semaphore(%run_scoped3A : memref<!tpu.dma_semaphore, #tpu.memory_space<semaphore_mem>>) src(%dma_wait3A_11 : memref<512xi32, #tpu.memory_space<hbm>>) dst(%arg6 : memref<512xi32, #tpu.memory_space<vmem>>)
      tpu.yield
    }) : () -> ()
    %iota3A = tpu.iota {dimensions = array<i32: 0>} : vector<16xi32>
    %broadcast_in_dim3A = arith.constant 0.000000e+00 : f32
    %broadcast_in_dim3A_3 = vector.broadcast %broadcast_in_dim3A : f32 to vector<16xf32>
    %scan3A = arith.constant 0 : i32
    %scan3A_4 = arith.constant 32 : i32
    %scan3A_5 = arith.addi %scan3A, %scan3A_4 : i32
    %scan3A_6 = arith.constant 1 : i32
    %scan3A_7 = scf.for %scan3A_10 = %scan3A to %scan3A_5 step %scan3A_6 iter_args(%scan3A_11 = %broadcast_in_dim3A_3) -> (vector<16xf32>)  : i32 {
      %mul3A_12 = arith.constant 16 : i32
      %mul3A_13 = arith.muli %scan3A_10, %mul3A_12 : i32
      %get3A = arith.index_cast %mul3A_13 : i32 to index
      %get3A_14 = tpu.vector_load %arg6[%get3A] {strides = array<i32>} : memref<512xi32, #tpu.memory_space<vmem>>, vector<16xi32>,
      %convert_element_type3A = arith.sitofp %get3A_14 : vector<16xi32> to vector<16xf32>
      %mul3A_15 = arith.constant 2.000000e-01 : f32
      %mul3A_16 = vector.broadcast %mul3A_15 : f32 to vector<16xf32>
      %mul3A_17 = arith.mulf %convert_element_type3A, %mul3A_16 : vector<16xf32>
      %convert_element_type3A_18 = arith.fptosi %mul3A_17 : vector<16xf32> to vector<16xi32>
      %shift_left3A = arith.constant 2 : i32
      %shift_left3A_19 = vector.broadcast %shift_left3A : i32 to vector<16xi32>
      %shift_left3A_20 = arith.shli %convert_element_type3A_18, %shift_left3A_19 : vector<16xi32>
      %add3A_21 = arith.addi %shift_left3A_20, %convert_element_type3A_18 : vector<16xi32>
      %sub3A = arith.subi %get3A_14, %add3A_21 : vector<16xi32>
      %mul3A_22 = arith.constant 16 : i32
      %mul3A_23 = arith.muli %scan3A_10, %mul3A_22 : i32
      %add3A_24 = vector.broadcast %mul3A_23 : i32 to vector<16xi32>
      %add3A_25 = arith.addi %add3A_24, %iota3A : vector<16xi32>
      %add3A_26 = arith.constant 0 : i32
      %add3A_27 = vector.broadcast %add3A_26 : i32 to vector<16xi32>
      %add3A_28 = arith.addi %add3A_21, %add3A_27 : vector<16xi32>
      %gather3A = tpu.vector_load_idx %arg5[%add3A_28, %add3A_25] : memref<100x512xf32, #tpu.memory_space<vmem>>[vector<16xi32>, vector<16xi32>], vector<16xf32>,
      %add3A_29 = arith.constant 1 : i32
      %add3A_30 = vector.broadcast %add3A_29 : i32 to vector<16xi32>
      %add3A_31 = arith.addi %add3A_21, %add3A_30 : vector<16xi32>
      %gather3A_32 = tpu.vector_load_idx %arg5[%add3A_31, %add3A_25] : memref<100x512xf32, #tpu.memory_space<vmem>>[vector<16xi32>, vector<16xi32>], vector<16xf32>,
      %add3A_33 = arith.constant 2 : i32
      %add3A_34 = vector.broadcast %add3A_33 : i32 to vector<16xi32>
      %add3A_35 = arith.addi %add3A_21, %add3A_34 : vector<16xi32>
      %gather3A_36 = tpu.vector_load_idx %arg5[%add3A_35, %add3A_25] : memref<100x512xf32, #tpu.memory_space<vmem>>[vector<16xi32>, vector<16xi32>], vector<16xf32>,
      %add3A_37 = arith.constant 3 : i32
      %add3A_38 = vector.broadcast %add3A_37 : i32 to vector<16xi32>
      %add3A_39 = arith.addi %add3A_21, %add3A_38 : vector<16xi32>
      %gather3A_40 = tpu.vector_load_idx %arg5[%add3A_39, %add3A_25] : memref<100x512xf32, #tpu.memory_space<vmem>>[vector<16xi32>, vector<16xi32>], vector<16xf32>,
      %add3A_41 = arith.constant 4 : i32
      %add3A_42 = vector.broadcast %add3A_41 : i32 to vector<16xi32>
      %add3A_43 = arith.addi %add3A_21, %add3A_42 : vector<16xi32>
      %gather3A_44 = tpu.vector_load_idx %arg5[%add3A_43, %add3A_25] : memref<100x512xf32, #tpu.memory_space<vmem>>[vector<16xi32>, vector<16xi32>], vector<16xf32>,
      %max3A = arith.maximumf %gather3A, %gather3A_32 : vector<16xf32>
      %max3A_45 = arith.maximumf %max3A, %gather3A_36 : vector<16xf32>
      %max3A_46 = arith.maximumf %max3A_45, %gather3A_40 : vector<16xf32>
      %max3A_47 = arith.maximumf %max3A_46, %gather3A_44 : vector<16xf32>
      %sub3A_48 = arith.subf %gather3A, %max3A_47 : vector<16xf32>
      %exp3A = math.exp %sub3A_48 : vector<16xf32>
      %sub3A_49 = arith.subf %gather3A_32, %max3A_47 : vector<16xf32>
      %exp3A_50 = math.exp %sub3A_49 : vector<16xf32>
      %sub3A_51 = arith.subf %gather3A_36, %max3A_47 : vector<16xf32>
      %exp3A_52 = math.exp %sub3A_51 : vector<16xf32>
      %sub3A_53 = arith.subf %gather3A_40, %max3A_47 : vector<16xf32>
      %exp3A_54 = math.exp %sub3A_53 : vector<16xf32>
      %sub3A_55 = arith.subf %gather3A_44, %max3A_47 : vector<16xf32>
      %exp3A_56 = math.exp %sub3A_55 : vector<16xf32>
      %add3A_57 = arith.addf %exp3A, %exp3A_50 : vector<16xf32>
      %add3A_58 = arith.addf %add3A_57, %exp3A_52 : vector<16xf32>
      %add3A_59 = arith.addf %add3A_58, %exp3A_54 : vector<16xf32>
      %add3A_60 = arith.addf %add3A_59, %exp3A_56 : vector<16xf32>
      %broadcast_in_dim3A_61 = arith.constant 0.000000e+00 : f32
      %broadcast_in_dim3A_62 = vector.broadcast %broadcast_in_dim3A_61 : f32 to vector<16xf32>
      %eq3A = arith.constant 0 : i32
      %eq3A_63 = vector.broadcast %eq3A : i32 to vector<16xi32>
      %eq3A_64 = arith.cmpi eq, %sub3A, %eq3A_63 : vector<16xi32>
      %select_n3A = arith.select %eq3A_64, %exp3A, %broadcast_in_dim3A_62 : vector<16xi1>, vector<16xf32>
      %sub3A_65 = arith.subf %gather3A, %max3A_47 : vector<16xf32>
      %mul3A_66 = arith.mulf %exp3A, %sub3A_65 : vector<16xf32>
      %select_n3A_67 = arith.select %eq3A_64, %broadcast_in_dim3A_62, %mul3A_66 : vector<16xi1>, vector<16xf32>
      %add3A_68 = arith.addf %broadcast_in_dim3A_62, %select_n3A_67 : vector<16xf32>
      %eq3A_69 = arith.constant 1 : i32
      %eq3A_70 = vector.broadcast %eq3A_69 : i32 to vector<16xi32>
      %eq3A_71 = arith.cmpi eq, %sub3A, %eq3A_70 : vector<16xi32>
      %select_n3A_72 = arith.select %eq3A_71, %exp3A_50, %select_n3A : vector<16xi1>, vector<16xf32>
      %sub3A_73 = arith.subf %gather3A_32, %max3A_47 : vector<16xf32>
      %mul3A_74 = arith.mulf %exp3A_50, %sub3A_73 : vector<16xf32>
      %select_n3A_75 = arith.select %eq3A_71, %broadcast_in_dim3A_62, %mul3A_74 : vector<16xi1>, vector<16xf32>
      %add3A_76 = arith.addf %add3A_68, %select_n3A_75 : vector<16xf32>
      %eq3A_77 = arith.constant 2 : i32
      %eq3A_78 = vector.broadcast %eq3A_77 : i32 to vector<16xi32>
      %eq3A_79 = arith.cmpi eq, %sub3A, %eq3A_78 : vector<16xi32>
      %select_n3A_80 = arith.select %eq3A_79, %exp3A_52, %select_n3A_72 : vector<16xi1>, vector<16xf32>
      %sub3A_81 = arith.subf %gather3A_36, %max3A_47 : vector<16xf32>
      %mul3A_82 = arith.mulf %exp3A_52, %sub3A_81 : vector<16xf32>
      %select_n3A_83 = arith.select %eq3A_79, %broadcast_in_dim3A_62, %mul3A_82 : vector<16xi1>, vector<16xf32>
      %add3A_84 = arith.addf %add3A_76, %select_n3A_83 : vector<16xf32>
      %eq3A_85 = arith.constant 3 : i32
      %eq3A_86 = vector.broadcast %eq3A_85 : i32 to vector<16xi32>
      %eq3A_87 = arith.cmpi eq, %sub3A, %eq3A_86 : vector<16xi32>
      %select_n3A_88 = arith.select %eq3A_87, %exp3A_54, %select_n3A_80 : vector<16xi1>, vector<16xf32>
      %sub3A_89 = arith.subf %gather3A_40, %max3A_47 : vector<16xf32>
      %mul3A_90 = arith.mulf %exp3A_54, %sub3A_89 : vector<16xf32>
      %select_n3A_91 = arith.select %eq3A_87, %broadcast_in_dim3A_62, %mul3A_90 : vector<16xi1>, vector<16xf32>
      %add3A_92 = arith.addf %add3A_84, %select_n3A_91 : vector<16xf32>
      %eq3A_93 = arith.constant 4 : i32
      %eq3A_94 = vector.broadcast %eq3A_93 : i32 to vector<16xi32>
      %eq3A_95 = arith.cmpi eq, %sub3A, %eq3A_94 : vector<16xi32>
      %select_n3A_96 = arith.select %eq3A_95, %exp3A_56, %select_n3A_88 : vector<16xi1>, vector<16xf32>
      %sub3A_97 = arith.subf %gather3A_44, %max3A_47 : vector<16xf32>
      %mul3A_98 = arith.mulf %exp3A_56, %sub3A_97 : vector<16xf32>
      %select_n3A_99 = arith.select %eq3A_95, %broadcast_in_dim3A_62, %mul3A_98 : vector<16xi1>, vector<16xf32>
      %add3A_100 = arith.addf %add3A_92, %select_n3A_99 : vector<16xf32>
      %sub3A_101 = arith.subf %add3A_60, %select_n3A_96 : vector<16xf32>
      %mul3A_102 = arith.constant 1.000000e-07 : f32
      %mul3A_103 = vector.broadcast %mul3A_102 : f32 to vector<16xf32>
      %mul3A_104 = arith.mulf %mul3A_103, %add3A_60 : vector<16xf32>
      %add3A_105 = arith.addf %sub3A_101, %mul3A_104 : vector<16xf32>
      %bitcast3A = vector.bitcast %add3A_105 : vector<16xf32> to vector<16xi32>
      %shift_right_arithmetic3A = arith.constant 23 : i32
      %shift_right_arithmetic3A_106 = vector.broadcast %shift_right_arithmetic3A : i32 to vector<16xi32>
      %shift_right_arithmetic3A_107 = arith.shrsi %bitcast3A, %shift_right_arithmetic3A_106 : vector<16xi32>
      %sub3A_108 = arith.constant 127 : i32
      %sub3A_109 = vector.broadcast %sub3A_108 : i32 to vector<16xi32>
      %sub3A_110 = arith.subi %shift_right_arithmetic3A_107, %sub3A_109 : vector<16xi32>
      %and3A = arith.constant 8388607 : i32
      %and3A_111 = vector.broadcast %and3A : i32 to vector<16xi32>
      %and3A_112 = arith.andi %bitcast3A, %and3A_111 : vector<16xi32>
      %or3A = arith.constant 1065353216 : i32
      %or3A_113 = vector.broadcast %or3A : i32 to vector<16xi32>
      %or3A_114 = arith.ori %and3A_112, %or3A_113 : vector<16xi32>
      %bitcast3A_115 = vector.bitcast %or3A_114 : vector<16xi32> to vector<16xf32>
      %gt3A = arith.constant 1.41421354 : f32
      %gt3A_116 = vector.broadcast %gt3A : f32 to vector<16xf32>
      %gt3A_117 = arith.cmpf ogt, %bitcast3A_115, %gt3A_116 : vector<16xf32>
      %mul3A_118 = arith.constant 5.000000e-01 : f32
      %mul3A_119 = vector.broadcast %mul3A_118 : f32 to vector<16xf32>
      %mul3A_120 = arith.mulf %bitcast3A_115, %mul3A_119 : vector<16xf32>
      %select_n3A_121 = arith.select %gt3A_117, %mul3A_120, %bitcast3A_115 : vector<16xi1>, vector<16xf32>
      %add3A_122 = arith.constant 1 : i32
      %add3A_123 = vector.broadcast %add3A_122 : i32 to vector<16xi32>
      %add3A_124 = arith.addi %sub3A_110, %add3A_123 : vector<16xi32>
      %select_n3A_125 = arith.select %gt3A_117, %add3A_124, %sub3A_110 : vector<16xi1>, vector<16xi32>
      %sub3A_126 = arith.constant 1.000000e+00 : f32
      %sub3A_127 = vector.broadcast %sub3A_126 : f32 to vector<16xf32>
      %sub3A_128 = arith.subf %select_n3A_121, %sub3A_127 : vector<16xf32>
      %add3A_129 = arith.constant 1.000000e+00 : f32
      %add3A_130 = vector.broadcast %add3A_129 : f32 to vector<16xf32>
      %add3A_131 = arith.addf %select_n3A_121, %add3A_130 : vector<16xf32>
      %div3A = arith.divf %sub3A_128, %add3A_131 : vector<16xf32>
      %mul3A_132 = arith.mulf %div3A, %div3A : vector<16xf32>
      %mul3A_133 = arith.constant 2.000000e+00 : f32
      %mul3A_134 = vector.broadcast %mul3A_133 : f32 to vector<16xf32>
      %mul3A_135 = arith.mulf %mul3A_134, %div3A : vector<16xf32>
      %mul3A_136 = arith.constant 0.142857149 : f32
      %mul3A_137 = vector.broadcast %mul3A_136 : f32 to vector<16xf32>
      %mul3A_138 = arith.mulf %mul3A_132, %mul3A_137 : vector<16xf32>
      %add3A_139 = arith.constant 2.000000e-01 : f32
      %add3A_140 = vector.broadcast %add3A_139 : f32 to vector<16xf32>
      %add3A_141 = arith.addf %add3A_140, %mul3A_138 : vector<16xf32>
      %mul3A_142 = arith.mulf %mul3A_132, %add3A_141 : vector<16xf32>
      %add3A_143 = arith.constant 0.333333343 : f32
      %add3A_144 = vector.broadcast %add3A_143 : f32 to vector<16xf32>
      %add3A_145 = arith.addf %add3A_144, %mul3A_142 : vector<16xf32>
      %mul3A_146 = arith.mulf %mul3A_132, %add3A_145 : vector<16xf32>
      %add3A_147 = arith.constant 1.000000e+00 : f32
      %add3A_148 = vector.broadcast %add3A_147 : f32 to vector<16xf32>
      %add3A_149 = arith.addf %add3A_148, %mul3A_146 : vector<16xf32>
      %mul3A_150 = arith.mulf %mul3A_135, %add3A_149 : vector<16xf32>
      %convert_element_type3A_151 = arith.sitofp %select_n3A_125 : vector<16xi32> to vector<16xf32>
      %mul3A_152 = arith.constant 0.693147182 : f32
      %mul3A_153 = vector.broadcast %mul3A_152 : f32 to vector<16xf32>
      %mul3A_154 = arith.mulf %convert_element_type3A_151, %mul3A_153 : vector<16xf32>
      %add3A_155 = arith.addf %mul3A_150, %mul3A_154 : vector<16xf32>
      %mul3A_156 = arith.mulf %add3A_155, %sub3A_101 : vector<16xf32>
      %sub3A_157 = arith.subf %add3A_100, %mul3A_156 : vector<16xf32>
      %div3A_158 = arith.divf %sub3A_157, %add3A_105 : vector<16xf32>
      %add3A_159 = arith.addf %scan3A_11, %div3A_158 : vector<16xf32>
      scf.yield %add3A_159 : vector<16xf32>
    }
    %scan3A_8 = arith.constant 32 : i32
    %swap3A = arith.constant 0 : index
    %swap3A_9 = tpu.vector_load %arg7[%swap3A] {strides = array<i32>} : memref<16xf32, #tpu.memory_space<vmem>>, vector<16xf32>,
    tpu.vector_store %arg7[%swap3A], %scan3A_7 {strides = array<i32>} : memref<16xf32, #tpu.memory_space<vmem>>, vector<16xf32>,
    "tpu.region"() ({
      %run_scoped3A = tpu.sem_alloc : memref<!tpu.dma_semaphore, #tpu.memory_space<semaphore_mem>>
      %dma_start3A = arith.constant 0 : i32
      %dma_start3A_10 = tpu.memref_slice %arg4[%add3A, %dma_start3A] : memref<32x16xf32, #tpu.memory_space<hbm>> -> memref<1x16xf32, #tpu.memory_space<hbm>>
      %dma_start3A_11 = tpu.memref_squeeze %dma_start3A_10 : memref<1x16xf32, #tpu.memory_space<hbm>> -> memref<16xf32, #tpu.memory_space<hbm>>
      %dma_start3A_12 = arith.constant 0 : i32
      %dma_start3A_13 = tpu.memref_slice %arg4[%add3A, %dma_start3A_12] : memref<32x16xf32, #tpu.memory_space<hbm>> -> memref<1x16xf32, #tpu.memory_space<hbm>>
      %dma_start3A_14 = tpu.memref_squeeze %dma_start3A_13 : memref<1x16xf32, #tpu.memory_space<hbm>> -> memref<16xf32, #tpu.memory_space<hbm>>
      tpu.enqueue_dma source(%arg7 : memref<16xf32, #tpu.memory_space<vmem>>) target(%dma_start3A_14 : memref<16xf32, #tpu.memory_space<hbm>>) target_semaphore(%run_scoped3A : memref<!tpu.dma_semaphore, #tpu.memory_space<semaphore_mem>>)
      %dma_wait3A = arith.constant 0 : i32
      %dma_wait3A_15 = tpu.memref_slice %arg4[%add3A, %dma_wait3A] : memref<32x16xf32, #tpu.memory_space<hbm>> -> memref<1x16xf32, #tpu.memory_space<hbm>>
      %dma_wait3A_16 = tpu.memref_squeeze %dma_wait3A_15 : memref<1x16xf32, #tpu.memory_space<hbm>> -> memref<16xf32, #tpu.memory_space<hbm>>
      %dma_wait3A_17 = arith.constant 0 : i32
      %dma_wait3A_18 = tpu.memref_slice %arg4[%add3A, %dma_wait3A_17] : memref<32x16xf32, #tpu.memory_space<hbm>> -> memref<1x16xf32, #tpu.memory_space<hbm>>
      %dma_wait3A_19 = tpu.memref_squeeze %dma_wait3A_18 : memref<1x16xf32, #tpu.memory_space<hbm>> -> memref<16xf32, #tpu.memory_space<hbm>>
      tpu.wait_dma2 semaphore(%run_scoped3A : memref<!tpu.dma_semaphore, #tpu.memory_space<semaphore_mem>>) src(%arg7 : memref<16xf32, #tpu.memory_space<vmem>>) dst(%dma_wait3A_19 : memref<16xf32, #tpu.memory_space<hbm>>)
      tpu.yield
    }) : () -> ()
    return
  }
}

</mosaic_0001>

<sc_bundles>
// kernel: kernel.3.cloned.1.call-start
scs
__scs_entry_jumppad:
0x0: {  	(pc) =	sbr.rel $0x88, $3  }
0x1: {  	(tag) =	ssettag $0x0;
	lr =	simm.s32 $0x1  }
0x2: {  	[smem:$0x3F9F] =	sst lr;
	_ =	strace $0xD0000000  }
0x3: {  	_ = 	snop  }
0x4: {  	_ = 	snop  }
0x5: {  	_ = 	snop  }
0x6: {  	_ = 	snop  }
0x7: {  	_ = 	snop  }
__scs_overlays_trampoline_lowered:
0x8: {  	[smem:$0x3FAE] =	sst s0  }
0x9: {  	[smem:$0x3FAF] =	sst s1  }
0xa: {  	[smem:$0x3FB0] =	sst s2  }
0xb: {  	[smem:$0x3FB1] =	sst s3  }
0xc: {  	[smem:$0x3FB2] =	sst s4  }
0xd: {  	[smem:$0x3FB3] =	sst s5  }
0xe: {  	[smem:$0x3FB4] =	sst s6  }
0xf: {  	[smem:$0x3FB5] =	sst s7  }
0x10: {  	[smem:$0x3FB6] =	sst s8  }
0x11: {  	[smem:$0x3FB7] =	sst s9;
	s0 =	simm.s32 @!p0 $0x0  }
0x12: {  	s1 =	sld [smem:$0x3F9D];
	s0 =	simm.s32 @p0 $0x1  }
0x13: {  	[smem:$0x3FB8] =	sst s0;
	s0 =	simm.s32 @!p1 $0x0  }
0x14: {  	s2 =	sld [smem:$0x3F9C];
	s0 =	simm.s32 @p1 $0x1  }
0x15: {  	[smem:$0x3FB9] =	sst s0;
	s0 =	simm.s32 @!p2 $0x0  }
0x16: {  	s3 =	sld [smem:$0x3FDB];
	s0 =	simm.s32 @p2 $0x1  }
0x17: {  	s4 =	simm.s32 $0x1BF5;
	[smem:$0x3FBB] =	sst s0  }
0x18: {  	s0 =	sld [smem:$0x3F9E];
	_ =	swait.ge [sflag:s4], $0x0  }
0x19: {  	s7 =	sld [smem:$0x3F9F]  }
0x1a: {  	s8 =	sadd.s32 $0xFFFFE003, lr  }
0x1b: {  	s9 =	sadd.s32 $0xFFFFFEF7, lr;
	s5 =	simm.s32 $0xFFFFFFFF;
	p2 =	slt.u32 s8, $0xFFFFF086  }
0x1c: {  	p1 =	slt.u32 s9, $0xF7A;
	s5 =	simm.s32 @!p2 $0x0  }
0x1d: {  	s5 =	simm.s32 @p1 $0x1;
	p0 =	seq.s32 s7, s2  }
0x1e: {  	s7 =	smul.u32 @!p0 $0xF7A, s2;
	p2 =	seq.s32 @!p0 s5, $0x0  }
0x1f: {  	s9 =	smul.u32 $0xF7A, s1;
	s8 =	simm.s32 @!p0 $0x1BF5;
	p2 =	por !p2, p0  }
0x20: {  	[sflag:s8] =	ssyncset.s32 @!p0 $0xFFFFF086;
	s6 =	sadd.s32 @!p0 s3, s7;
	s7 =	simm.s32 @!p0 $0x108  }
0x21: {  	s3 =	sadd.s32 s3, s9;
	s6 =	sadd.s32 @!p0 $0x88, s6;
	s7 =	simm.s32 @p2 $0x1082  }
0x22: {  	[simem:s7], [sflag:s8] =	dma.local @!p0 [hbm:s6], $0xF7A  }
0x23: {  	s9 =	sor.u32 $0xD0000000, s2;
	s6 =	simm.s32 $0x108;
	_ =	swait.ge @!p0 [sflag:s8], $0x0  }
0x24: {  	s3 =	sadd.s32 $0x88, s3;
	s6 =	simm.s32 @!p1 $0x1082;
	[sflag:s4] =	ssyncset.s32 $0xFFFFF086  }
0x25: {  	[simem:s6], [sflag:s4] =	dma.local [hbm:s3], $0xF7A  }
0x26: {  	[smem:$0x3F9F] =	sst s1;
	(tag) =	ssettag s2;
	_ =	strace s9  }
0x27: {  	s1 =	sld [smem:$0x3FAF]  }
0x28: {  	s2 =	sld [smem:$0x3FB0]  }
0x29: {  	s4 =	sld [smem:$0x3FB2]  }
0x2a: {  	p0 =	seq.s32 s5, $0x0;
	s5 =	sld [smem:$0x3FB3]  }
0x2b: {  	s6 =	sld [smem:$0x3FB4]  }
0x2c: {  	s7 =	sld [smem:$0x3FB5]  }
0x2d: {  	s3 =	simm.s32 $0x108;
	s8 =	sld [smem:$0x3FB6]  }
0x2e: {  	s3 =	simm.s32 @!p0 $0x1082;
	s9 =	sld [smem:$0x3FB7]  }
0x2f: {  	lr =	sadd.s32 s0, s3;
	s0 =	sld [smem:$0x3FAE]  }
0x30: {  	s3 =	sld [smem:$0x3FB1]  }
0x31: {  	[smem:$0x3FBA] =	sst s10  }
0x32: {  	s10 =	sld [smem:$0x3FB8];
	_ =	sdelay $0x3  }
0x33: {  	p0 =	seq.s32 s10, $0x1;
	s10 =	sld [smem:$0x3FBA];
	_ =	sdelay $0x3  }
0x34: {  	[smem:$0x3FBA] =	sst s10  }
0x35: {  	s10 =	sld [smem:$0x3FB9];
	_ =	sdelay $0x3  }
0x36: {  	p1 =	seq.s32 s10, $0x1;
	s10 =	sld [smem:$0x3FBA];
	_ =	sdelay $0x3  }
0x37: {  	[smem:$0x3FBA] =	sst s10  }
0x38: {  	s10 =	sld [smem:$0x3FBB]  }
0x39: {  	_ = 	snop;
	(pc) =	sbr.ind lr, $3  }
0x3a: {  	_ = 	snop  }
0x3b: {  	_ = 	snop  }
0x3c: {  	p2 =	seq.s32 s10, $0x1;
	s10 =	sld [smem:$0x3FBA]  }
0x3d: {  	_ =	shalt  }
0x3e: {  	_ =	shalt  }
0x3f: {  	_ =	shalt  }
0x40: {  	_ =	shalt  }
0x41: {  	_ =	shalt  }
0x42: {  	_ =	shalt  }
0x43: {  	_ =	shalt  }
0x44: {  	_ =	shalt  }
0x45: {  	_ =	shalt  }
0x46: {  	_ =	shalt  }
0x47: {  	_ =	shalt  }
0x48: {  	_ =	shalt  }
0x49: {  	_ =	shalt  }
0x4a: {  	_ =	shalt  }
0x4b: {  	_ =	shalt  }
0x4c: {  	_ =	shalt  }
0x4d: {  	_ =	shalt  }
0x4e: {  	_ =	shalt  }
0x4f: {  	_ =	shalt  }
0x50: {  	_ =	shalt  }
0x51: {  	_ =	shalt  }
0x52: {  	_ =	shalt  }
0x53: {  	_ =	shalt  }
0x54: {  	_ =	shalt  }
0x55: {  	_ =	shalt  }
0x56: {  	_ =	shalt  }
0x57: {  	_ =	shalt  }
0x58: {  	_ =	shalt  }
0x59: {  	_ =	shalt  }
0x5a: {  	_ =	shalt  }
0x5b: {  	_ =	shalt  }
0x5c: {  	_ =	shalt  }
0x5d: {  	_ =	shalt  }
0x5e: {  	_ =	shalt  }
0x5f: {  	_ =	shalt  }
0x60: {  	_ =	shalt  }
0x61: {  	_ =	shalt  }
0x62: {  	_ =	shalt  }
0x63: {  	_ =	shalt  }
0x64: {  	_ =	shalt  }
0x65: {  	_ =	shalt  }
0x66: {  	_ =	shalt  }
0x67: {  	_ =	shalt  }
0x68: {  	_ =	shalt  }
0x69: {  	_ =	shalt  }
0x6a: {  	_ =	shalt  }
0x6b: {  	_ =	shalt  }
0x6c: {  	_ =	shalt  }
0x6d: {  	_ =	shalt  }
0x6e: {  	_ =	shalt  }
0x6f: {  	_ =	shalt  }
0x70: {  	_ =	shalt  }
0x71: {  	_ =	shalt  }
0x72: {  	_ =	shalt  }
0x73: {  	_ =	shalt  }
0x74: {  	_ =	shalt  }
0x75: {  	_ =	shalt  }
0x76: {  	_ =	shalt  }
0x77: {  	_ =	shalt  }
0x78: {  	_ =	shalt  }
0x79: {  	_ =	shalt  }
0x7a: {  	_ =	shalt  }
0x7b: {  	_ =	shalt  }
0x7c: {  	_ =	shalt  }
0x7d: {  	_ =	shalt  }
0x7e: {  	_ =	shalt  }
0x7f: {  	_ =	shalt  }
0x80: {  	_ =	shalt  }
0x81: {  	_ =	shalt  }
0x82: {  	_ =	shalt  }
0x83: {  	_ =	shalt  }
0x84: {  	_ =	shalt  }
0x85: {  	_ =	shalt  }
0x86: {  	_ =	shalt  }
0x87: {  	_ =	shalt  }
.Lfunc_end0:
.L_simem_size_0:
called_computation_lowered:
.L_overlay_start_0:
0x88: {  	s2 =	sld [smem:$0x3FD9]  }
0x89: {  	s3 =	sld [smem:$0x3FFE];
	_ =	sdelay $0x1  }
0x8a: {  	s1 =	srdreg.scid  }
0x8b: {  	s0 =	sand.u32 $0x1, s1  }
0x8c: {  	s17 =	sshll.u32 s0, $0xA;
	s2 =	sadd.s32 s3, s2  }
0x8d: {  	s2 =	sadd.s32 s2, s17  }
0x8e: {  	[smem:$0x3FC6] =	sst s2  }
0x8f: {  	_ = 	snop  }
0x90: {  	s2 =	sld [smem:$0x3FC9]  }
0x91: {  	s18 =	sld [smem:$0x3FC8];
	(tm) =	ssettm $0x1  }
0x92: {  	s4 =	sld [smem:$0x3FFB];
	_ =	sdelay $0x3  }
0x93: {  	_ =	strace s4  }
0x94: {  	s4 =	sld [smem:$0x3FFC];
	_ =	sdelay $0x3  }
0x95: {  	_ =	strace s4  }
0x96: {  	s4 =	sld [smem:$0x3FFD];
	_ =	sdelay $0x3  }
0x97: {  	_ =	strace s4  }
0x98: {  	_ =	strace $0x8FFFFFFF  }
0x99: {  	s19 =	sld [smem:$0x3FDB];
	_ =	sdelay $0x1  }
0x9a: {  	s5 =	simm.s32 $_scs_section_size  }
0x9b: {  	s6 =	simm.s32 $_size__tile_overlayer_lowered;
	s7 =	simm.s32 $_tile_overlayer_lowered  }
0x9c: {  	s22 =	simm.s32 $0x1BFF;
	s21 =	sshll.u32 s7, $0x1;
	s4 =	sadd.s32 s5, s19  }
0x9d: {  	s8 =	simm.s32 $0x0;
	s20 =	sshll.u32 s6, $0x1;
	s6 =	sadd.s32 s21, s4  }
0x9e: {  	[timem:s8], [sflag:s22] =	dma.local [hbm:s6], s20  }
0x9f: {  	_ =	swait.ge [sflag:s22], s20  }
0xa0: {  	s5 =	ssub.s32 $0x0, s20;
	[sflag:s22] =	ssyncset.done $0x0  }
0xa1: {  	[sflag:s22] =	ssyncadd.s32 s5;
	_ =	sdelay $0x1  }
0xa2: {  	s23 =	simm.s32 $0x1B8B  }
0xa3: {  	_ =	swait.ge [sflag:s23], $0x1  }
0xa4: {  	[sflag:s23] =	ssyncset.done $0x0  }
0xa5: {  	s25 =	simm.s32 $0x1B8E;
	s24 =	sld [smem:$0x3FFE];
	[sflag:s23] =	ssyncadd.s32 $0xFFFFFFFF  }
0xa6: {  	s26 =	simm.s32 $execute0_lowered;
	[smem:$0x3FD2] =	sst s25  }
0xa7: {  	s6 =	sshll.u32 s26, $0x1;
	_ =	strace $0x80000046;
	[dreg:$0x1] =	wrdreg $0xFFFFFFFF  }
0xa8: {  	s28 =	simm.s32 $_size_execute0_lowered;
	s4 =	sadd.s32 s4, s6;
	[dreg:$0x0] =	wrdreg $0x0  }
0xa9: {  	s6 =	sshll.u32 s28, $0x1;
	[dreg:$0x2] =	wrdreg s4  }
0xaa: {  	[dreg:$0x3] =	wrdreg s6  }
0xab: {  	[dreg:$0x4] =	wrdreg $0xC0  }
0xac: {  	_ =	task [dreg:s8], $0x5FFFF  }
0xad: {  	[dreg:$0x1] =	wrdreg $0xFFFFFFFF  }
0xae: {  	[dreg:$0x0] =	wrdreg $0x60  }
0xaf: {  	[dreg:$0x2] =	wrdreg s2  }
0xb0: {  	[dreg:$0x3] =	wrdreg s18  }
0xb1: {  	[dreg:$0x4] =	wrdreg s24  }
0xb2: {  	[dreg:$0x5] =	wrdreg $0x9  }
0xb3: {  	_ =	task.clear_ibuf [dreg:s8], $0x6FFFF;
	_ =	strace $0x90000046  }
0xb4: {  	s29 =	simm.s32 $0x9;
	_ =	strace $0x80000048  }
0xb5: {  	_ =	swait.ge [sflag:s29], $0x1  }
0xb6: {  	[sflag:s29] =	ssyncadd.s32 $0xFFFFFFFF  }
0xb7: {  	_ =	strace $0x90000048  }
0xb8: {  	_ =	sfence  }
0xb9: {  	s30 =	sld [smem:$0x0];
	_ =	sdelay $0x2  }
0xba: {  	s31 =	sshll.u32 s1, $0xD;
	s1 =	sshrl.u32 s1, $0x2  }
0xbb: {  	s3 =	sand.u32 $0x4000, s31;
	s1 =	sadd.s32 s1, s30  }
0xbc: {  	s0 =	sor.u32 s3, s0;
	s1 =	sshll.u32 s1, $0x11  }
0xbd: {  	s0 =	sor.u32 s1, s0  }
0xbe: {  	s0 =	sadd.s32 $0x8F2B, s0  }
0xbf: {  	[sflag:s0] =	ssyncadd.remote.s32 $0x1  }
0xc0: {  	_ =	sfence.sel $0xFFFF  }
0xc1: {  	[dreg:$0x0] =	wrdreg $0xFFFFFFFF;
	(pc) =	sbr.abs _section_cstart, $3  }
0xc2: {  	[dreg:$0x1] =	wrdreg $0xFFFFFFFF  }
0xc3: {  	_ =	task.clear_ibuf [dreg:s8], $0x2FFFF;
	_ =	strace $0x9FFFFFFF  }
0xc4: {  	(tm) =	ssettm $0x7FFFFFFF  }
0xc5: {  	_ =	shalt  }
tec
execute0_lowered:
.L_overlay_start_1:
0x0: {  	(tag) =	ssettag $0x1  }
0x1: {  	s3 =	rddreg [dreg:$0x0]  }
0x2: {  	s4 =	rddreg [dreg:$0x1]  }
0x3: {  	s5 =	rddreg [dreg:$0x2]  }
0x4: {  	s1 =	srdreg.scid;
	s0 =	rddreg [dreg:$0x3];
	s2 =	simm.s32 $0x0  }
0x5: {  	s10 =	simm.s32 $0xD200;
	s6 =	sand.u32 $0x1, s1;
	s1 =	stileid.u32  }
0x6: {  	s11 =	simm.s32 $0x0;
	s7 =	ssub.s32 $0x2, s6;
	s9 =	sshll.u32 s1, $0x1  }
0x7: {  	[smem:$0x7FF] =	sst s2;
	s8 =	sshrl.u32 s7, $0x1;
	s6 =	sor.u32 s6, s9  }
0x8: {  	_ =	strace $0x80000047;
	s7 =	ssub.s32 s7, s8;
	s31 =	sshll.u32 s6, $0x9  }
0x9: {  	s9 =	sshll.u32 s6, $0x6;
	s6 =	sshll.u32 s6, $0x4;
	s8 =	simm.s32 $0x20000  }
0xa: {  	s3 =	sadd.s32 s3, s31;
	s4 =	sadd.s32 s4, s9;
	s5 =	sadd.s32 s5, s6  }
0xb: {  	v0 =	vlaneseq.u32;
	v1 =	vimm.s32 $0xFFFFFF81;
	s6 =	smax.u32 s7, $0x1;
	s7 =	simm.s32 $0x1000;
	s9 =	simm.s32 $0x1  }
.LBB2_1:
0xc: {  	[tilespmem:s2], [sflag:$0x1] =	stream.strided.gather [hbm4b:s3+s7], $0xD000, s8, s7, $0x38;
	[tilespmem:$0xD280] =	vst v63  }
0xd: {  	_ =	swait.ge [sflag:s9], $0xD000  }
0xe: {  	[sflag:s9] =	ssyncset.done $0x0  }
0xf: {  	s12 =	simm.s32 $0xD000;
	[sflag:s9] =	ssyncadd.s32 $0xFFFF3000  }
0x10: {  	[tilespmem:s12], [sflag:$0x1] =	stream.linear.gather [hbm4b:s4+s2], $0x200, $0x38;
	[tilespmem:$0xD280] =	vst v63  }
0x11: {  	_ =	swait.ge [sflag:s9], $0x200  }
0x12: {  	[sflag:s9] =	ssyncset.done $0x0  }
0x13: {  	[sflag:s9] =	ssyncadd.s32 $0xFFFFFE00  }
0x14: {  	v3 =	vld [tilespmem:s12+$0x0];
	_ =	sdelay $0x4  }
0x15: {  	v2 =	vcvt.s32.f32 v3;
	_ =	sdelay $0x1  }
0x16: {  	v2 =	vmul.f32 $2.000000030e-01, v2;
	_ =	sdelay $0x1  }
0x17: {  	v2 =	vtrunc.f32 v2  }
0x18: {  	v2 =	vcvt.f32.s32 v2  }
0x19: {  	v6 =	vmov s2  }
0x1a: {  	v7 =	vor.u32 s2, v0;
	v6 =	vshll.u32 v6, $0x3;
	v4 =	vmul.u32 $0x5, v2  }
0x1b: {  	v7 =	vand.u32 $0x7F, v7;
	v6 =	vand.u32 $0xC00, v6  }
0x1c: {  	v5 =	vmul.u32 $0xA00, v2;
	v2 =	vmul.u32 $0x280, v2;
	v8 =	vadd.s32 $0x1, v4  }
0x1d: {  	v9 =	vadd.s32 $0x2, v4;
	v11 =	vadd.s32 $0x3, v4;
	v12 =	vadd.s32 $0x4, v4  }
0x1e: {  	v5 =	vand.u32 $0xFFFFF000, v5;
	v2 =	vand.u32 $0x380, v2;
	v10 =	vshll.u32 v8, $0x9  }
0x1f: {  	v8 =	vshll.u32 v8, $0x7;
	v13 =	vshll.u32 v12, $0x9;
	v12 =	vshll.u32 v12, $0x7  }
0x20: {  	v14 =	vshll.u32 v11, $0x7;
	v2 =	vor.u32 v5, v2;
	v11 =	vshll.u32 v11, $0x9  }
0x21: {  	v10 =	vand.u32 $0xFFFFF000, v10;
	v8 =	vand.u32 $0x380, v8;
	v5 =	vand.u32 $0xFFFFF000, v13  }
0x22: {  	v2 =	vor.u32 v6, v2;
	v8 =	vor.u32 v10, v8;
	v10 =	vshll.u32 v9, $0x9  }
0x23: {  	v9 =	vshll.u32 v9, $0x7;
	v2 =	vor.u32 v7, v2;
	v8 =	vor.u32 v6, v8  }
0x24: {  	v10 =	vand.u32 $0xFFFFF000, v10;
	v9 =	vand.u32 $0x380, v9;
	v8 =	vor.u32 v7, v8  }
0x25: {  	v9 =	vor.u32 v10, v9;
	v10 =	vand.u32 $0xFFFFF000, v11;
	v11 =	vand.u32 $0x380, v14  }
0x26: {  	v12 =	vand.u32 $0x380, v12;
	v9 =	vor.u32 v6, v9;
	v10 =	vor.u32 v10, v11  }
0x27: {  	v5 =	vor.u32 v5, v12;
	v9 =	vor.u32 v7, v9;
	v10 =	vor.u32 v6, v10  }
0x28: {  	v5 =	vor.u32 v6, v5;
	v6 =	vor.u32 v7, v10  }
0x29: {  	v5 =	vor.u32 v7, v5;
	v2 =	vld.idx.msk [tilespmem:v2+s2+$0x0], $0xffff  }
0x2a: {  	s28 =	simm.s32 $0xD010;
	v10 =	vld.idx.msk [tilespmem:v8+s2+$0x0], $0xffff  }
0x2b: {  	v8 =	vld [tilespmem:s28+$0x0]  }
0x2c: {  	v7 =	vld.idx.msk [tilespmem:v9+s2+$0x0], $0xffff  }
0x2d: {  	v6 =	vld.idx.msk [tilespmem:v6+s2+$0x0], $0xffff  }
0x2e: {  	v5 =	vld.idx.msk [tilespmem:v5+s2+$0x0], $0xffff;
	_ =	sdelay $0x1  }
0x2f: {  	v9 =	vmax.f32 v2, v10  }
0x30: {  	v11 =	vcvt.s32.f32 v8;
	v9 =	vmax.f32 v9, v7  }
0x31: {  	v9 =	vmax.f32 v9, v6  }
0x32: {  	s29 =	simm.s32 $0x10;
	v11 =	vmul.f32 $2.000000030e-01, v11;
	v12 =	vmax.f32 v9, v5  }
0x33: {  	v17 =	vmov s29;
	v18 =	vor.u32 s29, v0;
	v13 =	vsub.f32 v2, v12  }
0x34: {  	v14 =	vsub.f32 v10, v12;
	v6 =	vsub.f32 v6, v12;
	v2 =	vtrunc.f32 v11  }
0x35: {  	v9 =	vsub.f32 v5, v12;
	v5 =	vsub.f32 v7, v12;
	v2 =	vcvt.f32.s32 v2  }
0x36: {  	v17 =	vshll.u32 v17, $0x3;
	v18 =	vand.u32 $0x7F, v18;
	v7 =	vmul.f32 $1.442695020e+00, v14  }
0x37: {  	v11 =	vmul.f32 $1.442695020e+00, v6;
	v15 =	vmul.f32 $1.442695020e+00, v5;
	v10 =	vmul.u32 $0x5, v2  }
0x38: {  	v17 =	vand.u32 $0xC00, v17;
	v16 =	vmul.f32 $1.442695020e+00, v13;
	(erf) = vpow2.f32 v7  }
0x39: {  	v7 =	vmul.u32 $0xA00, v2;
	v2 =	vmul.u32 $0x280, v2;
	v19 =	vadd.s32 $0x1, v10  }
0x3a: {  	v20 =	vadd.s32 $0x2, v10;
	v22 =	vadd.s32 $0x3, v10;
	v23 =	vadd.s32 $0x4, v10  }
0x3b: {  	(erf) = vpow2.f32 v16;
	v21 =	vshll.u32 v19, $0x9;
	v19 =	vshll.u32 v19, $0x7  }
0x3c: {  	v24 =	vshll.u32 v23, $0x9;
	v7 =	vand.u32 $0xFFFFF000, v7;
	v2 =	vand.u32 $0x380, v2  }
0x3d: {  	v23 =	vshll.u32 v23, $0x7;
	v25 =	vshll.u32 v22, $0x7;
	v22 =	vshll.u32 v22, $0x9  }
0x3e: {  	(erf) = vpow2.f32 v15;
	v21 =	vand.u32 $0xFFFFF000, v21;
	v19 =	vand.u32 $0x380, v19  }
0x3f: {  	v24 =	vand.u32 $0xFFFFF000, v24;
	v23 =	vand.u32 $0x380, v23;
	v2 =	vor.u32 v7, v2  }
0x40: {  	v19 =	vor.u32 v21, v19;
	v21 =	vshll.u32 v20, $0x9;
	v20 =	vshll.u32 v20, $0x7  }
0x41: {  	v2 =	vor.u32 v17, v2;
	v21 =	vand.u32 $0xFFFFF000, v21;
	v16 =	vand.u32 $0x380, v20  }
0x42: {  	v19 =	vor.u32 v17, v19;
	v2 =	vor.u32 v18, v2;
	v16 =	vor.u32 v21, v16  }
0x43: {  	v7 =	vor.u32 v24, v23;
	v19 =	vor.u32 v18, v19;
	v16 =	vor.u32 v17, v16  }
0x44: {  	v20 =	vand.u32 $0xFFFFF000, v22;
	v22 =	vand.u32 $0x380, v25;
	v16 =	vor.u32 v18, v16  }
0x45: {  	v12 =	vmul.f32 $1.442695020e+00, v9;
	v7 =	vor.u32 v17, v7;
	v15 =	vor.u32 v20, v22  }
0x46: {  	(erf) = vpow2.f32 v11;
	v7 =	vor.u32 v18, v7;
	v15 =	vor.u32 v17, v15  }
0x47: {  	v11 =	vor.u32 v18, v15;
	v18 =	vld.idx.msk [tilespmem:v2+s2+$0x0], $0xffff  }
0x48: {  	(erf) = vpow2.f32 v12;
	v15 =	vld.idx.msk [tilespmem:v19+s2+$0x0], $0xffff  }
0x49: {  	v16 =	vld.idx.msk [tilespmem:v16+s2+$0x0], $0xffff  }
0x4a: {  	v17 =	vpop (erf)  }
0x4b: {  	vm1 =	veq.s32 v3, v4;
	v20 =	vpop (erf);
	v19 =	vsub.s32 v3, v4;
	v3 =	vld.idx.msk [tilespmem:v7+s2+$0x0], $0xffff  }
0x4c: {  	v21 =	vadd.f32 v17, v20;
	v7 =	vnsel vm1, $0x0, v20;
	vm2 =	veq.s32 v19, $0x1;
	v11 =	vld.idx.msk [tilespmem:v11+s2+$0x0], $0xffff  }
0x4d: {  	v4 =	vpop (erf);
	vm0 =	veq.s32 v19, $0x4;
	vm4 =	veq.s32 v19, $0x3;
	v22 =	vmax.f32 v18, v15  }
0x4e: {  	s31 =	simm.s32 $0x20;
	vm3 =	veq.s32 v19, $0x2;
	v21 =	vadd.f32 v21, v4;
	v19 =	vmax.f32 v22, v16  }
0x4f: {  	v28 =	vor.u32 s31, v0;
	v14 =	vmul.f32 v17, v14;
	v7 =	vsel vm2, v17, v7;
	v17 =	vpop (erf)  }
0x50: {  	v28 =	vand.u32 $0x7F, v28;
	v20 =	vmul.f32 v20, v13;
	v21 =	vadd.f32 v21, v17  }
0x51: {  	v23 =	vmul.f32 v4, v5;
	v7 =	vsel vm3, v4, v7;
	v13 =	vmax.f32 v19, v11;
	v19 =	vpop (erf)  }
0x52: {  	v7 =	vsel vm4, v17, v7;
	v22 =	vmax.f32 v13, v3;
	v13 =	vadd.f32 v21, v19  }
0x53: {  	s30 =	simm.s32 $0xD020;
	v6 =	vmul.f32 v17, v6;
	v17 =	vadd.f32 $0.0e+00, v20;
	v7 =	vsel vm0, v19, v7  }
0x54: {  	v5 =	vld [tilespmem:s30+$0x0];
	v21 =	vsub.f32 v15, v22;
	v15 =	vsub.f32 v13, v7;
	v7 =	vmul.f32 $1.000000010e-07, v13  }
0x55: {  	v12 =	vsub.s32 v8, v10;
	v2 =	vimm.f32 $0.0e+00;
	v18 =	vsub.f32 v18, v22  }
0x56: {  	v17 =	vsel vm1, $0x0, v17;
	v4 =	vsub.f32 v11, v22;
	v20 =	vadd.f32 v15, v7  }
0x57: {  	v3 =	vsub.f32 v3, v22;
	v9 =	vmul.f32 v19, v9;
	v13 =	vsub.f32 v16, v22  }
0x58: {  	v7 =	vsel vm4, $0x0, v6;
	v6 =	vsel vm2, $0x0, v14;
	v22 =	vand.u32 $0x7FFFFF, v20  }
0x59: {  	v14 =	vcvt.s32.f32 v5;
	v6 =	vadd.f32 v17, v6;
	v17 =	vor.u32 $0x3F800000, v22  }
0x5a: {  	v24 =	vmul.f32 $1.442695020e+00, v3;
	v22 =	vsel vm3, $0x0, v23;
	v23 =	vmul.f32 $5.000000000e-01, v17  }
0x5b: {  	v11 =	vmul.f32 $1.442695020e+00, v21;
	v14 =	vmul.f32 $2.000000030e-01, v14;
	vm1 =	vgt.f32 v17, $1.414213540e+00  }
0x5c: {  	v27 =	vmul.f32 $1.442695020e+00, v18;
	v16 =	vmul.f32 $1.442695020e+00, v4;
	v17 =	vsel vm1, v23, v17  }
0x5d: {  	(erf) = vpow2.f32 v11;
	v14 =	vtrunc.f32 v14;
	v26 =	vadd.f32 $1.000000000e+00, v17  }
0x5e: {  	v22 =	vadd.f32 v6, v22;
	v6 =	vshra.s32 v20, $0x17;
	v14 =	vcvt.f32.s32 v14  }
0x5f: {  	v25 =	vsel vm1, $0xFFFFFF82, v1;
	v23 =	vmul.f32 $1.442695020e+00, v13;
	(erf) = vrcp.f32 v26  }
0x60: {  	v25 =	vadd.s32 v6, v25;
	v11 =	vadd.f32 $-1.000000000e+00, v17;
	v6 =	vmul.u32 $0x5, v14  }
0x61: {  	v17 =	vmul.u32 $0xA00, v14;
	v14 =	vmul.u32 $0x280, v14;
	v26 =	vmov s31  }
0x62: {  	v29 =	vadd.s32 $0x1, v6;
	v30 =	vadd.s32 $0x2, v6;
	v32 =	vadd.s32 $0x3, v6  }
0x63: {  	v33 =	vadd.s32 $0x4, v6;
	v17 =	vand.u32 $0xFFFFF000, v17;
	v14 =	vand.u32 $0x380, v14  }
0x64: {  	v26 =	vshll.u32 v26, $0x3;
	v31 =	vshll.u32 v29, $0x9;
	v29 =	vshll.u32 v29, $0x7  }
0x65: {  	v58 =	vshll.u32 v30, $0x9;
	v34 =	vshll.u32 v33, $0x9;
	v30 =	vshll.u32 v30, $0x7  }
0x66: {  	v33 =	vshll.u32 v33, $0x7;
	v36 =	vshll.u32 v32, $0x7;
	v14 =	vor.u32 v17, v14  }
0x67: {  	v35 =	vpop (erf);
	v32 =	vshll.u32 v32, $0x9;
	(erf) = vpow2.f32 v27;
	v31 =	vand.u32 $0xFFFFF000, v31  }
0x68: {  	v29 =	vand.u32 $0x380, v29;
	v26 =	vand.u32 $0xC00, v26;
	v34 =	vand.u32 $0xFFFFF000, v34;
	v37 =	vpop (erf)  }
0x69: {  	v33 =	vand.u32 $0x380, v33;
	v61 =	vand.u32 $0xFFFFF000, v32;
	v17 =	vmul.f32 v37, v11  }
0x6a: {  	v29 =	vor.u32 v31, v29;
	v31 =	vand.u32 $0xFFFFF000, v58;
	v11 =	vor.u32 v34, v33  }
0x6b: {  	v14 =	vor.u32 v26, v14;
	v11 =	vor.u32 v26, v11;
	v59 =	vmul.f32 v17, v17  }
0x6c: {  	v29 =	vor.u32 v26, v29;
	v60 =	vor.u32 v28, v11;
	v11 =	vand.u32 $0x380, v30  }
0x6d: {  	v14 =	vor.u32 v28, v14;
	v11 =	vor.u32 v31, v11;
	v63 =	vmul.f32 $1.428571490e-01, v59  }
0x6e: {  	v62 =	vand.u32 $0x380, v36;
	v29 =	vor.u32 v28, v29;
	v11 =	vor.u32 v26, v11  }
0x6f: {  	v30 =	vor.u32 v61, v62;
	v27 =	vor.u32 v28, v11;
	v11 =	vadd.f32 $2.000000030e-01, v63  }
0x70: {  	vm3 =	vmmov vm0;
	(erf) = vpow2.f32 v23;
	v26 =	vor.u32 v26, v30  }
0x71: {  	(erf) = vpow2.f32 v16;
	v26 =	vor.u32 v28, v26;
	v16 =	vmul.f32 v11, v59  }
0x72: {  	vm1 =	veq.s32 v8, v10;
	v8 =	vsel vm3, $0x0, v9;
	v23 =	vcvt.s32.f32 v25;
	v25 =	vld.idx.msk [tilespmem:v14+s2+$0x0], $0xffff  }
0x73: {  	vm2 =	veq.s32 v12, $0x1;
	v14 =	vadd.f32 v22, v7;
	v29 =	vld.idx.msk [tilespmem:v29+s2+$0x0], $0xffff;
	v16 =	vadd.f32 $3.333333430e-01, v16  }
0x74: {  	vm4 =	veq.s32 v12, $0x3;
	vm0 =	veq.s32 v12, $0x4;
	(erf) = vpow2.f32 v24  }
0x75: {  	vm3 =	veq.s32 v12, $0x2;
	v14 =	vadd.f32 v14, v8;
	v8 =	vpop (erf);
	v10 =	vld.idx.msk [tilespmem:v27+s2+$0x0], $0xffff;
	v9 =	vmul.f32 v16, v59  }
0x76: {  	(erf) = vrcp.f32 v20;
	v20 =	vnsel vm1, $0x0, v8;
	v11 =	vmul.f32 v35, v21;
	v21 =	vld.idx.msk [tilespmem:v26+s2+$0x0], $0xffff  }
0x77: {  	v7 =	vsub.s32 v5, v6;
	v12 =	vadd.f32 v17, v17;
	v19 =	vld.idx.msk [tilespmem:v60+s2+$0x0], $0xffff;
	v9 =	vadd.f32 $1.000000000e+00, v9  }
0x78: {  	v17 =	vadd.f32 v35, v8;
	v22 =	vmax.f32 v25, v29;
	v16 =	vmul.f32 v8, v18  }
0x79: {  	v8 =	vsel vm2, v35, v20;
	v20 =	vpop (erf);
	v18 =	vmul.f32 $6.931471820e-01, v23;
	v12 =	vmul.f32 v9, v12  }
0x7a: {  	v17 =	vadd.f32 v17, v20;
	v8 =	vsel vm3, v20, v8;
	v9 =	vmax.f32 v22, v10  }
0x7b: {  	v20 =	vmul.f32 v20, v13;
	v22 =	vpop (erf);
	v23 =	vmax.f32 v9, v21;
	v12 =	vadd.f32 v12, v18  }
0x7c: {  	v8 =	vsel vm4, v22, v8;
	v26 =	vadd.f32 v17, v22;
	v23 =	vmax.f32 v23, v19  }
0x7d: {  	v9 =	vpop (erf);
	v17 =	vsub.f32 v10, v23;
	v10 =	vsub.f32 v29, v23;
	v18 =	vmul.f32 v12, v15  }
0x7e: {  	s13 =	simm.s32 $0xD030;
	s12 =	simm.s32 $0x30;
	v24 =	vsel vm0, v9, v8;
	v8 =	vsub.f32 v25, v23;
	v25 =	vadd.f32 v26, v9  }
.LBB2_2:
0x7f: {  	v15 =	vld [tilespmem:s13+$0x0];
	p0 =	sne.s32 s12, $0x1F0;
	v22 =	vmul.f32 v22, v4;
	v4 =	vsub.f32 v21, v23;
	v14 =	vsub.f32 v14, v18;
	v12 =	vmovc v17;
	s14 =	smov.u32 s12;
	s12 =	sadd.s32 $0x10, s12  }
0x80: {  	v17 =	vmul.f32 $1.442695020e+00, v10;
	v13 =	vsub.f32 v25, v24;
	v18 =	vmul.f32 $1.000000010e-07, v25;
	v21 =	vpop (erf)  }
0x81: {  	v19 =	vsub.f32 v19, v23;
	v24 =	vmul.f32 $1.442695020e+00, v4;
	v14 =	vmul.f32 v14, v21  }
0x82: {  	v21 =	vadd.f32 $0.0e+00, v16;
	v22 =	vsel vm4, $0x0, v22;
	v16 =	vadd.f32 v13, v18  }
0x83: {  	v11 =	vsel vm2, $0x0, v11;
	v18 =	vmul.f32 $1.442695020e+00, v19;
	v2 =	vadd.f32 v14, v2  }
0x84: {  	v21 =	vsel vm1, $0x0, v21;
	v14 =	vcvt.s32.f32 v15;
	v23 =	vand.u32 $0x7FFFFF, v16  }
0x85: {  	v20 =	vsel vm3, $0x0, v20;
	v11 =	vadd.f32 v21, v11;
	v21 =	vor.u32 $0x3F800000, v23  }
0x86: {  	v14 =	vmul.f32 $2.000000030e-01, v14;
	vm1 =	vgt.f32 v21, $1.414213540e+00;
	v23 =	vmul.f32 $5.000000000e-01, v21  }
0x87: {  	v11 =	vadd.f32 v11, v20;
	v20 =	vshra.s32 v16, $0x17;
	v25 =	vsel vm1, $0xFFFFFF82, v1  }
0x88: {  	v14 =	vtrunc.f32 v14;
	v21 =	vsel vm1, v23, v21;
	v20 =	vadd.s32 v20, v25  }
0x89: {  	v23 =	vmul.f32 $1.442695020e+00, v12;
	v14 =	vcvt.f32.s32 v14;
	v25 =	vadd.f32 $1.000000000e+00, v21  }
0x8a: {  	v26 =	vmul.f32 $1.442695020e+00, v8;
	(erf) = vpow2.f32 v17;
	v17 =	vadd.f32 $-1.000000000e+00, v21  }
0x8b: {  	v21 =	vmul.u32 $0x5, v14;
	v27 =	vmul.u32 $0xA00, v14;
	(erf) = vrcp.f32 v25  }
0x8c: {  	v28 =	vor.u32 s14, v0;
	v25 =	vmov s14;
	v14 =	vmul.u32 $0x280, v14  }
0x8d: {  	v25 =	vshll.u32 v25, $0x3;
	v29 =	vadd.s32 $0x1, v21;
	v30 =	vadd.s32 $0x2, v21  }
0x8e: {  	v32 =	vadd.s32 $0x3, v21;
	v31 =	vshll.u32 v29, $0x9;
	v29 =	vshll.u32 v29, $0x7  }
0x8f: {  	v33 =	vadd.s32 $0x4, v21;
	v31 =	vand.u32 $0xFFFFF000, v31;
	v29 =	vand.u32 $0x380, v29  }
0x90: {  	v25 =	vand.u32 $0xC00, v25;
	v29 =	vor.u32 v31, v29;
	v31 =	vshll.u32 v30, $0x9  }
0x91: {  	v28 =	vand.u32 $0x7F, v28;
	v34 =	vshll.u32 v33, $0x9;
	v29 =	vor.u32 v25, v29  }
0x92: {  	v27 =	vand.u32 $0xFFFFF000, v27;
	v31 =	vand.u32 $0xFFFFF000, v31;
	v29 =	vor.u32 v28, v29  }
0x93: {  	v14 =	vand.u32 $0x380, v14;
	v33 =	vshll.u32 v33, $0x7;
	v30 =	vshll.u32 v30, $0x7;
	v35 =	vpop (erf)  }
0x94: {  	v36 =	vshll.u32 v32, $0x7;
	v34 =	vand.u32 $0xFFFFF000, v34;
	v33 =	vand.u32 $0x380, v33;
	v37 =	vpop (erf)  }
0x95: {  	v14 =	vor.u32 v27, v14;
	v27 =	vor.u32 v34, v33;
	v17 =	vmul.f32 v37, v17  }
0x96: {  	v32 =	vshll.u32 v32, $0x9;
	v14 =	vor.u32 v25, v14;
	v27 =	vor.u32 v25, v27  }
0x97: {  	v14 =	vor.u32 v28, v14;
	v27 =	vor.u32 v28, v27;
	v29 =	vld.idx.msk [tilespmem:v29+s2+$0x0], $0xffff;
	v33 =	vmul.f32 v17, v17  }
0x98: {  	v32 =	vand.u32 $0xFFFFF000, v32;
	v34 =	vand.u32 $0x380, v36;
	v30 =	vand.u32 $0x380, v30  }
0x99: {  	v30 =	vor.u32 v31, v30;
	v31 =	vor.u32 v32, v34;
	v32 =	vmul.f32 $1.428571490e-01, v33  }
0x9a: {  	v30 =	vor.u32 v25, v30;
	v25 =	vor.u32 v25, v31;
	(erf) = vpow2.f32 v26  }
0x9b: {  	v25 =	vor.u32 v28, v25;
	v26 =	vor.u32 v28, v30;
	v28 =	vadd.f32 $2.000000030e-01, v32  }
0x9c: {  	v20 =	vcvt.s32.f32 v20;
	v30 =	vld.idx.msk [tilespmem:v14+s2+$0x0], $0xffff;
	(erf) = vpow2.f32 v23;
	v14 =	vadd.f32 v11, v22  }
0x9d: {  	v22 =	vsub.s32 v15, v21;
	(erf) = vpow2.f32 v24;
	v23 =	vmul.f32 v28, v33  }
0x9e: {  	vm3 =	vmmov vm0;
	v11 =	vmul.f32 v35, v10;
	(erf) = vpow2.f32 v18  }
0x9f: {  	v9 =	vmul.f32 v9, v3;
	v3 =	vmov v19;
	v10 =	vadd.f32 $3.333333430e-01, v23  }
0xa0: {  	vm2 =	veq.s32 v7, $0x1;
	vm0 =	veq.s32 v7, $0x4;
	vm1 =	veq.s32 v5, v6;
	v5 =	vmovc v15;
	v6 =	vmovc v21;
	v18 =	vld.idx.msk [tilespmem:v26+s2+$0x0], $0xffff  }
0xa1: {  	vm4 =	veq.s32 v7, $0x3;
	v23 =	vsel vm3, $0x0, v9;
	v21 =	vld.idx.msk [tilespmem:v25+s2+$0x0], $0xffff;
	v10 =	vmul.f32 v10, v33  }
0xa2: {  	vm3 =	veq.s32 v7, $0x2;
	v7 =	vmovc v22;
	v14 =	vadd.f32 v14, v23;
	v15 =	vmax.f32 v30, v29;
	v19 =	vld.idx.msk [tilespmem:v27+s2+$0x0], $0xffff  }
0xa3: {  	v17 =	vadd.f32 v17, v17;
	v9 =	vpop (erf);
	v10 =	vadd.f32 $1.000000000e+00, v10;
	(erf) = vrcp.f32 v16  }
0xa4: {  	v24 =	vadd.f32 v35, v9;
	v23 =	vnsel vm1, $0x0, v9;
	v16 =	vmul.f32 v9, v8  }
0xa5: {  	v8 =	vsel vm2, v35, v23;
	v26 =	vpop (erf);
	v10 =	vmul.f32 v10, v17;
	v17 =	vmul.f32 $6.931471820e-01, v20  }
.Ltmp0:
0xa6: {  	v23 =	vmax.f32 v15, v18;
	v15 =	vadd.f32 v24, v26;
	v8 =	vsel vm3, v26, v8;
	v22 =	vpop (erf);
	(pc) =	sbr.rel @p0 .LBB2_2-.Ltmp0, $4  }
0xa7: {  	v20 =	vmax.f32 v23, v21;
	v8 =	vsel vm4, v22, v8;
	v9 =	vpop (erf);
	v10 =	vadd.f32 v10, v17  }
0xa8: {  	v23 =	vmax.f32 v20, v19;
	v15 =	vadd.f32 v15, v22;
	v24 =	vsel vm0, v9, v8  }
0xa9: {  	v8 =	vsub.f32 v30, v23;
	v17 =	vsub.f32 v18, v23;
	v18 =	vmul.f32 v10, v13  }
0xaa: {  	s13 =	sadd.s32 $0x10, s13;
	v20 =	vmul.f32 v26, v12;
	v10 =	vsub.f32 v29, v23;
	v25 =	vadd.f32 v15, v9  }
0xab: {  	_ = 	snop  }
0xac: {  	v12 =	vsub.f32 v25, v24;
	v13 =	vmul.f32 $1.000000010e-07, v25;
	_ =	sdelay $0x1  }
0xad: {  	v13 =	vadd.f32 v12, v13;
	_ =	sdelay $0x1  }
0xae: {  	v15 =	vand.u32 $0x7FFFFF, v13  }
0xaf: {  	v15 =	vor.u32 $0x3F800000, v15  }
0xb0: {  	v58 =	vmul.f32 $5.000000000e-01, v15  }
0xb1: {  	vm9 =	vgt.f32 v15, $1.414213540e+00  }
0xb2: {  	v59 =	vmul.f32 $1.442695020e+00, v10;
	v15 =	vsel vm9, v58, v15  }
0xb3: {  	v24 =	vadd.f32 $1.000000000e+00, v15  }
0xb4: {  	v26 =	vmul.f32 $1.442695020e+00, v8;
	(erf) = vpow2.f32 v59  }
0xb5: {  	(erf) = vrcp.f32 v24  }
0xb6: {  	v21 =	vsub.f32 v21, v23;
	v60 =	vmul.f32 $1.442695020e+00, v17;
	(erf) = vpow2.f32 v26;
	_ =	sdelay $0x1  }
0xb7: {  	v19 =	vsub.f32 v19, v23;
	v61 =	vmul.f32 $1.442695020e+00, v21;
	(erf) = vpow2.f32 v60;
	_ =	sdelay $0x1  }
0xb8: {  	v23 =	vmul.f32 $1.442695020e+00, v19;
	(erf) = vpow2.f32 v61;
	_ =	sdelay $0x1  }
0xb9: {  	v62 =	vpop (erf);
	(erf) = vpow2.f32 v23  }
0xba: {  	v63 =	vpop (erf)  }
0xbb: {  	v36 =	vpop (erf)  }
0xbc: {  	v26 =	vpop (erf)  }
0xbd: {  	v27 =	vadd.f32 v63, v26  }
0xbe: {  	v28 =	vpop (erf)  }
0xbf: {  	vm8 =	veq.s32 v5, v6;
	v37 =	vadd.f32 v27, v28  }
0xc0: {  	vm11 =	veq.s32 v7, $0x1;
	v6 =	vnsel vm8, $0x0, v26;
	v38 =	vpop (erf)  }
0xc1: {  	vm7 =	veq.s32 v7, $0x2;
	v6 =	vsel vm11, v63, v6;
	v5 =	vadd.f32 v37, v38  }
0xc2: {  	vm6 =	veq.s32 v7, $0x3;
	v6 =	vsel vm7, v28, v6;
	v29 =	vpop (erf)  }
0xc3: {  	vm5 =	veq.s32 v7, $0x4;
	v6 =	vsel vm6, v38, v6;
	v5 =	vadd.f32 v5, v29  }
0xc4: {  	v6 =	vsel vm5, v29, v6  }
0xc5: {  	v6 =	vsub.f32 v5, v6;
	v5 =	vmul.f32 $1.000000010e-07, v5;
	_ =	sdelay $0x1  }
0xc6: {  	v5 =	vadd.f32 v6, v5;
	_ =	sdelay $0x1  }
0xc7: {  	v39 =	vand.u32 $0x7FFFFF, v5  }
0xc8: {  	v7 =	vor.u32 $0x3F800000, v39  }
0xc9: {  	v30 =	vmul.f32 $5.000000000e-01, v7  }
0xca: {  	vm10 =	vgt.f32 v7, $1.414213540e+00  }
0xcb: {  	v7 =	vsel vm10, v30, v7  }
0xcc: {  	v30 =	vadd.f32 $1.000000000e+00, v7  }
0xcd: {  	(erf) = vrcp.f32 v13  }
0xce: {  	(erf) = vrcp.f32 v30;
	_ =	sdelay $0x4  }
0xcf: {  	v15 =	vadd.f32 $-1.000000000e+00, v15  }
0xd0: {  	v16 =	vadd.f32 $0.0e+00, v16  }
0xd1: {  	v15 =	vmul.f32 v36, v15  }
0xd2: {  	v11 =	vsel vm2, $0x0, v11;
	v16 =	vsel vm1, $0x0, v16;
	v41 =	vpop (erf);
	v7 =	vadd.f32 $-1.000000000e+00, v7  }
0xd3: {  	v11 =	vadd.f32 v16, v11;
	v25 =	vmul.f32 v15, v15;
	v31 =	vpop (erf)  }
0xd4: {  	v4 =	vmul.f32 v22, v4;
	v20 =	vsel vm3, $0x0, v20;
	v7 =	vmul.f32 v31, v7  }
0xd5: {  	v11 =	vadd.f32 v11, v20;
	v40 =	vmul.f32 $1.428571490e-01, v25  }
0xd6: {  	v3 =	vmul.f32 v9, v3;
	v4 =	vsel vm4, $0x0, v4;
	v32 =	vmul.f32 v7, v7  }
0xd7: {  	vm0 =	vmmov vm0;
	v4 =	vadd.f32 v11, v4;
	v22 =	vadd.f32 $2.000000030e-01, v40  }
0xd8: {  	v3 =	vsel vm0, $0x0, v3;
	v43 =	vmul.f32 v63, v10;
	v45 =	vmul.f32 $1.428571490e-01, v32  }
0xd9: {  	v42 =	vsel vm9, $0xFFFFFF82, v1;
	v3 =	vadd.f32 v4, v3;
	v22 =	vmul.f32 v22, v25  }
0xda: {  	v10 =	vsel vm11, $0x0, v43;
	v46 =	vmul.f32 v26, v8;
	v16 =	vadd.f32 $2.000000030e-01, v45  }
0xdb: {  	v47 =	vadd.f32 v15, v15;
	v53 =	vmul.f32 v28, v17;
	v44 =	vadd.f32 $3.333333430e-01, v22  }
0xdc: {  	v13 =	vshra.s32 v13, $0x17;
	v8 =	vadd.f32 $0.0e+00, v46;
	v48 =	vmul.f32 v16, v32  }
0xdd: {  	v13 =	vadd.s32 v13, v42;
	v56 =	vsel vm7, $0x0, v53;
	v9 =	vmul.f32 v44, v25  }
0xde: {  	v49 =	vcvt.s32.f32 v13;
	v8 =	vsel vm8, $0x0, v8;
	v50 =	vadd.f32 $3.333333430e-01, v48  }
0xdf: {  	v51 =	vshra.s32 v5, $0x17;
	v9 =	vadd.f32 $1.000000000e+00, v9;
	v52 =	vsel vm10, $0xFFFFFF82, v1  }
0xe0: {  	v4 =	vmul.f32 $6.931471820e-01, v49;
	v13 =	vadd.s32 v51, v52;
	v11 =	vmul.f32 v50, v32  }
0xe1: {  	v8 =	vadd.f32 v8, v10;
	v9 =	vmul.f32 v9, v47;
	v54 =	vcvt.s32.f32 v13  }
0xe2: {  	(erf) = vrcp.f32 v5;
	v7 =	vadd.f32 v7, v7;
	v11 =	vadd.f32 $1.000000000e+00, v11  }
0xe3: {  	v14 =	vsub.f32 v14, v18;
	v55 =	vmul.f32 v38, v21;
	v8 =	vadd.f32 v8, v56  }
0xe4: {  	v4 =	vadd.f32 v9, v4;
	v57 =	vmul.f32 $6.931471820e-01, v54;
	v7 =	vmul.f32 v11, v7  }
0xe5: {  	vm15 =	vmmov vm5;
	v58 =	vmul.f32 v29, v19;
	v5 =	vsel vm6, $0x0, v55  }
0xe6: {  	v4 =	vmul.f32 v4, v12;
	v5 =	vadd.f32 v8, v5;
	v7 =	vadd.f32 v7, v57  }
0xe7: {  	v59 =	vmul.f32 v14, v62;
	v60 =	vsel vm15, $0x0, v58  }
0xe8: {  	v3 =	vsub.f32 v3, v4;
	v61 =	vadd.f32 v5, v60;
	v62 =	vmul.f32 v7, v6;
	_ =	sdelay $0x1  }
0xe9: {  	v2 =	vadd.f32 v59, v2;
	v3 =	vmul.f32 v3, v41;
	v4 =	vsub.f32 v61, v62  }
0xea: {  	v63 =	vpop (erf)  }
0xeb: {  	v2 =	vadd.f32 v3, v2;
	v3 =	vmul.f32 v4, v63;
	_ =	sdelay $0x1  }
0xec: {  	s11 =	sadd.s32 $0x1, s11;
	v2 =	vadd.f32 v3, v2  }
0xed: {  	p0 =	sne.s32 s11, s6  }
.Ltmp1:
0xee: {  	[tilespmem:$0xD200] =	vst v2;
	(pc) =	sbr.rel @p0 .LBB2_1-.Ltmp1, $4  }
0xef: {  	[hbm4b:s5+s2] =	stream.linear.scatter [tilespmem:s10], [sflag:$0x1], $0x80, $0x38;
	[tilespmem:$0xD280] =	vst v63  }
0xf0: {  	_ =	swait.ge [sflag:s9], $0x80  }
0xf1: {  	[sflag:s9] =	ssyncset.done $0x0  }
0xf2: {  	[sflag:s9] =	ssyncadd.s32 $0xFFFFFF80  }
0xf3: {  	_ =	sfence.sel $0x180000  }
0xf4: {  	[bflag:$0x0] =	sbarrier.arrive $0xFFFF  }
0xf5: {  	p0 =	sne.s32 s1, $0x0;
	_ =	strace $0x90000047  }
0xf6: {  	s0 =	sadd.s32 @!p0 $0x100000, s0;
	[bflag:$0x2] =	sbarrier.arrive $0xFFFF  }
0xf7: {  	[sflag:s0] =	ssyncadd.tile.s32 @!p0 $0x1;
	_ =	shalt  }
.Lfunc_end2:
_tile_overlayer_lowered:
.L_overlay_start_2:
0xf8: {  	(tag) =	ssettag $0x2  }
0xf9: {  	s0 =	rddreg [dreg:$0x0];
	s2 =	stileid.u32  }
0xfa: {  	s1 =	rddreg [dreg:$0x1];
	p0 =	sne.s32 s2, $0x0  }
0xfb: {  	s3 =	rddreg [dreg:$0x2];
	[bflag:$0x3] =	sbarrier.arrive $0xFFFF;
	s2 =	simm.s32 @!p0 $0x1C01  }
0xfc: {  	[timem:s3], [sflag:s2] =	dma.local @!p0 [hbm:s0], s1  }
0xfd: {  	s0 =	simm.s32 @!p0 $0x1  }
0xfe: {  	_ =	swait.ge @!p0 [sflag:s0], s1  }
0xff: {  	s1 =	ssub.s32 @!p0 $0x0, s1;
	[sflag:s0] =	ssyncset.done @!p0 $0x0  }
0x100: {  	[sflag:s0] =	ssyncadd.s32 @!p0 s1  }
0x101: {  	[bflag:$0x3] =	sbarrier.arrive $0xFFFF  }
0x102: {  	_ =	shalt  }

</sc_bundles>
